<compile_context>
chip_gen: v7x
topology: tpu7x:2x2x1
jax: 0.10.2.dev20260603
libtpu: 0.0.44.dev20260713+nightly
codegen_flags: <defaults>
</compile_context>

<pallas_src>
import functools

import jax
import jax.numpy as jnp
from jax import lax
from jax.experimental import pallas as pl
from jax.experimental.pallas import tpu as pltpu
from jax.experimental.pallas import tpu_sc as plsc

N = 10000
E = 320000
D = 128

NC = 2
NS = 16
NW = NC * NS

CHUNK = 128
ROWS_PER_TILE = 640
N_PAD = NS * ROWS_PER_TILE
EDGES_PER_TILE = ((E + NW * CHUNK - 1) // (NW * CHUNK)) * CHUNK
E_PAD = EDGES_PER_TILE * NW
N_CHUNKS = EDGES_PER_TILE // CHUNK


def _sc_aggregate(x, src, dst, z2d, z1d, ones_h):
  mesh = plsc.VectorSubcoreMesh(core_axis_name="c", subcore_axis_name="s")

  @functools.partial(
      pl.kernel,
      out_type=[
          jax.ShapeDtypeStruct((NC, N_PAD, D), jnp.float32),
          jax.ShapeDtypeStruct((NC, N_PAD), jnp.float32),
      ],
      mesh=mesh,
      scratch_types=[
          pltpu.VMEM((CHUNK,), jnp.int32),
          pltpu.VMEM((CHUNK,), jnp.int32),
          pltpu.VMEM((CHUNK,), jnp.float32),
          pltpu.VMEM((CHUNK, D), jnp.float32),
          pltpu.VMEM_SHARED((N_PAD, D), jnp.float32),
          pltpu.VMEM_SHARED((N_PAD,), jnp.float32),
          pltpu.SemaphoreType.DMA,
      ],
  )
  def body(x_h, src_h, dst_h, z2d_h, z1d_h, ones_hbm, agg_out, cnt_out,
           src_v, dst_v, ones_v, rows_v, agg_sh, cnt_sh, sem):
    cid = lax.axis_index("c")
    sid = lax.axis_index("s")
    wid = cid * NS + sid

    row0 = sid * ROWS_PER_TILE
    pltpu.sync_copy(z2d_h, agg_sh.at[pl.ds(row0, ROWS_PER_TILE)])
    pltpu.sync_copy(z1d_h, cnt_sh.at[pl.ds(row0, ROWS_PER_TILE)])
    pltpu.sync_copy(ones_hbm, ones_v)
    plsc.subcore_barrier()

    base = wid * EDGES_PER_TILE

    def step(c, carry):
      off = pl.multiple_of(base + c * CHUNK, CHUNK)
      pltpu.sync_copy(src_h.at[pl.ds(off, CHUNK)], src_v)
      pltpu.sync_copy(dst_h.at[pl.ds(off, CHUNK)], dst_v)
      pltpu.async_copy(x_h.at[src_v], rows_v, sem).wait()
      pltpu.sync_copy(rows_v, agg_sh.at[dst_v], add=True)
      pltpu.sync_copy(ones_v, cnt_sh.at[dst_v], add=True)
      return carry

    lax.fori_loop(0, N_CHUNKS, step, 0)
    plsc.subcore_barrier()

    pltpu.sync_copy(agg_sh.at[pl.ds(row0, ROWS_PER_TILE)],
                    agg_out.at[cid].at[pl.ds(row0, ROWS_PER_TILE)])
    pltpu.sync_copy(cnt_sh.at[pl.ds(row0, ROWS_PER_TILE)],
                    cnt_out.at[cid].at[pl.ds(row0, ROWS_PER_TILE)])

  return body(x, src, dst, z2d, z1d, ones_h)


ROW_BLK = 2000


def _tc_body(x_ref, agg_ref, cnt_ref, wl_ref, wr_ref, b_ref, out_ref):
  agg = agg_ref[0] + agg_ref[1]
  cnt = cnt_ref[0] + cnt_ref[1]
  mean = agg * (1.0 / jnp.maximum(cnt, 1.0))
  acc = jnp.dot(mean, wl_ref[...], preferred_element_type=jnp.float32)
  acc = acc + jnp.dot(x_ref[...], wr_ref[...],
                      preferred_element_type=jnp.float32)
  acc = acc + b_ref[...]
  out_ref[...] = jnp.maximum(acc, 0.0)


def _tc_tail(x, agg, cnt, wl_t, wr_t, b2d):
  grid = N // ROW_BLK
  return pl.pallas_call(
      _tc_body,
      grid=(grid,),
      in_specs=[
          pl.BlockSpec((ROW_BLK, D), lambda i: (i, 0)),
          pl.BlockSpec((NC, ROW_BLK, D), lambda i: (0, i, 0)),
          pl.BlockSpec((NC, ROW_BLK, 1), lambda i: (0, i, 0)),
          pl.BlockSpec((D, D), lambda i: (0, 0)),
          pl.BlockSpec((D, D), lambda i: (0, 0)),
          pl.BlockSpec((1, D), lambda i: (0, 0)),
      ],
      out_specs=pl.BlockSpec((ROW_BLK, D), lambda i: (i, 0)),
      out_shape=jax.ShapeDtypeStruct((N, D), jnp.float32),
  )(x, agg, cnt, wl_t, wr_t, b2d)


@jax.jit
def kernel(x, edge_index, W_l, b_l, W_r):
  src = edge_index[0].astype(jnp.int32)
  dst = edge_index[1].astype(jnp.int32)
  pad = E_PAD - E
  src = jnp.concatenate([src, jnp.zeros((pad,), jnp.int32)])
  dst = jnp.concatenate([dst, jnp.full((pad,), N, jnp.int32)])

  z2d = jnp.zeros((ROWS_PER_TILE, D), jnp.float32)
  z1d = jnp.zeros((ROWS_PER_TILE,), jnp.float32)
  ones_h = jnp.ones((CHUNK,), jnp.float32)

  agg, cnt = _sc_aggregate(x, src, dst, z2d, z1d, ones_h)

  out = _tc_tail(x, agg, cnt.reshape(NC, N_PAD, 1),
                 W_l.T, W_r.T, b_l.reshape(1, D))
  return out

# --- scband reference (transcript-rebuilt; emitter-appended) ---
"""Pipeline reference for scband-na-op-446676599413 (READ-ONLY COPY).

The authoritative reference and input builder live on the scoring server;
editing this copy changes nothing except your own understanding.
"""

import jax, jax.numpy as jnp
import numpy as np

N, E, DIN, DOUT = 10000, 320000, 128, 128

def setup_inputs(seed: int = 0) -> dict:
    key = jax.random.key(seed)
    k1, k2, k3, k4, k5 = jax.random.split(key, 5)
    x = jax.random.normal(k1, (N, DIN), dtype=jnp.float32)
    edge_index = jax.random.randint(k2, (2, E), 0, N, dtype=jnp.int64)
    s = 1.0 / np.sqrt(DIN)
    W_l = jax.random.uniform(k3, (DOUT, DIN), minval=-s, maxval=s, dtype=jnp.float32)
    b_l = jax.random.uniform(k4, (DOUT,), minval=-s, maxval=s, dtype=jnp.float32)
    W_r = jax.random.uniform(k5, (DOUT, DIN), minval=-s, maxval=s, dtype=jnp.float32)
    return {"x": x, "edge_index": edge_index, "W_l": W_l, "b_l": b_l, "W_r": W_r}

def reference(x, edge_index, W_l, b_l, W_r):
    # NaOp(primitive='sage', act='relu', with_linear=False):
    # out = relu(SAGEConv_mean(x, edge_index))
    # SAGEConv (PyG, mean aggr): lin_l(mean_{j in N(i)} x_j) + lin_r(x_i)
    n = x.shape[0]
    src = edge_index[0]
    dst = edge_index[1]
    msg = jnp.take(x, src, axis=0)                      # gather x_j over edges
    agg = jax.ops.segment_sum(msg, dst, num_segments=n)  # scatter-add to dst
    cnt = jax.ops.segment_sum(jnp.ones((msg.shape[0],), x.dtype), dst, num_segments=n)
    mean = agg / jnp.maximum(cnt, 1.0)[:, None]
    out = mean @ W_l.T + b_l + x @ W_r.T
    return jax.nn.relu(out)

if __name__ == "__main__":
    import jax
    _d = setup_inputs()
    print(jax.jit(kernel)(*tuple(_d.values())))

</pallas_src>

<mosaic_0001>
#map = affine_map<(d0, d1) -> (0, 0)>
#map1 = affine_map<(d0, d1) -> (0)>
#map2 = affine_map<(d0, d1) -> (0, 0, 0)>
module attributes {stable_mosaic.version = 14 : i64} {
  func.func @body(%arg0: i32, %arg1: i32, %arg2: memref<10000x128xf32, #tpu.memory_space<hbm>>, %arg3: memref<323584xi32, #tpu.memory_space<hbm>>, %arg4: memref<323584xi32, #tpu.memory_space<hbm>>, %arg5: memref<640x128xf32, #tpu.memory_space<hbm>>, %arg6: memref<640xf32, #tpu.memory_space<hbm>>, %arg7: memref<128xf32, #tpu.memory_space<hbm>>, %arg8: memref<2x10240x128xf32, #tpu.memory_space<hbm>>, %arg9: memref<2x10240xf32, #tpu.memory_space<hbm>>, %arg10: memref<128xi32, #tpu.memory_space<vmem>>, %arg11: memref<128xi32, #tpu.memory_space<vmem>>, %arg12: memref<128xf32, #tpu.memory_space<vmem>>, %arg13: memref<128x128xf32, #tpu.memory_space<vmem>>, %arg14: memref<10240x128xf32, #tpu.memory_space<vmem_shared>>, %arg15: memref<10240xf32, #tpu.memory_space<vmem_shared>>, %arg16: memref<!tpu.dma_semaphore, #tpu.memory_space<semaphore_mem>>) attributes {dimension_semantics = [#tpu.dimension_semantics<core_parallel>, #tpu.dimension_semantics<subcore_parallel>], iteration_bounds = array<i64: 2, 16>, scalar_prefetch = 0 : i64, scratch_operands = 7 : i64, tpu.core_type = #tpu.core_type<sc_vector_subcore>, window_params = [{transform_indices = #map}, {transform_indices = #map1}, {transform_indices = #map1}, {transform_indices = #map}, {transform_indices = #map1}, {transform_indices = #map1}, {transform_indices = #map2}, {transform_indices = #map}]} {
    %mul3A = arith.constant 16 : i32
    %mul3A_0 = arith.muli %arg0, %mul3A : i32
    %add3A = arith.addi %mul3A_0, %arg1 : i32
    %mul3A_1 = arith.constant 640 : i32
    %mul3A_2 = arith.muli %arg1, %mul3A_1 : i32
    "tpu.region"() ({
      %run_scoped3A = tpu.sem_alloc : memref<!tpu.dma_semaphore, #tpu.memory_space<semaphore_mem>>
      %dma_start3A = arith.constant 0 : i32
      %dma_start3A_11 = tpu.memref_slice %arg14[%mul3A_2, %dma_start3A] : memref<10240x128xf32, #tpu.memory_space<vmem_shared>> -> memref<640x128xf32, #tpu.memory_space<vmem_shared>>
      tpu.enqueue_dma source(%arg5 : memref<640x128xf32, #tpu.memory_space<hbm>>) target(%dma_start3A_11 : memref<640x128xf32, #tpu.memory_space<vmem_shared>>) target_semaphore(%run_scoped3A : memref<!tpu.dma_semaphore, #tpu.memory_space<semaphore_mem>>)
      %dma_wait3A = arith.constant 0 : i32
      %dma_wait3A_12 = tpu.memref_slice %arg14[%mul3A_2, %dma_wait3A] : memref<10240x128xf32, #tpu.memory_space<vmem_shared>> -> memref<640x128xf32, #tpu.memory_space<vmem_shared>>
      tpu.wait_dma2 semaphore(%run_scoped3A : memref<!tpu.dma_semaphore, #tpu.memory_space<semaphore_mem>>) src(%arg5 : memref<640x128xf32, #tpu.memory_space<hbm>>) dst(%dma_wait3A_12 : memref<640x128xf32, #tpu.memory_space<vmem_shared>>)
      tpu.yield
    }) : () -> ()
    "tpu.region"() ({
      %run_scoped3A = tpu.sem_alloc : memref<!tpu.dma_semaphore, #tpu.memory_space<semaphore_mem>>
      %dma_start3A = tpu.memref_slice %arg15[%mul3A_2] : memref<10240xf32, #tpu.memory_space<vmem_shared>> -> memref<640xf32, #tpu.memory_space<vmem_shared>>
      tpu.enqueue_dma source(%arg6 : memref<640xf32, #tpu.memory_space<hbm>>) target(%dma_start3A : memref<640xf32, #tpu.memory_space<vmem_shared>>) target_semaphore(%run_scoped3A : memref<!tpu.dma_semaphore, #tpu.memory_space<semaphore_mem>>)
      %dma_wait3A = tpu.memref_slice %arg15[%mul3A_2] : memref<10240xf32, #tpu.memory_space<vmem_shared>> -> memref<640xf32, #tpu.memory_space<vmem_shared>>
      tpu.wait_dma2 semaphore(%run_scoped3A : memref<!tpu.dma_semaphore, #tpu.memory_space<semaphore_mem>>) src(%arg6 : memref<640xf32, #tpu.memory_space<hbm>>) dst(%dma_wait3A : memref<640xf32, #tpu.memory_space<vmem_shared>>)
      tpu.yield
    }) : () -> ()
    "tpu.region"() ({
      %run_scoped3A = tpu.sem_alloc : memref<!tpu.dma_semaphore, #tpu.memory_space<semaphore_mem>>
      tpu.enqueue_dma source(%arg7 : memref<128xf32, #tpu.memory_space<hbm>>) target(%arg12 : memref<128xf32, #tpu.memory_space<vmem>>) target_semaphore(%run_scoped3A : memref<!tpu.dma_semaphore, #tpu.memory_space<semaphore_mem>>)
      tpu.wait_dma2 semaphore(%run_scoped3A : memref<!tpu.dma_semaphore, #tpu.memory_space<semaphore_mem>>) src(%arg7 : memref<128xf32, #tpu.memory_space<hbm>>) dst(%arg12 : memref<128xf32, #tpu.memory_space<vmem>>)
      tpu.yield
    }) : () -> ()
    %barrier3A = arith.constant 0 : index
    tpu.barrier barrier_id(%barrier3A)
    %mul3A_3 = arith.constant 10112 : i32
    %mul3A_4 = arith.muli %add3A, %mul3A_3 : i32
    %scan3A = arith.constant 0 : i32
    %scan3A_5 = arith.constant 0 : i32
    %scan3A_6 = arith.constant 79 : i32
    %scan3A_7 = arith.addi %scan3A_5, %scan3A_6 : i32
    %scan3A_8 = arith.constant 1 : i32
    scf.for %scan3A_11 = %scan3A_5 to %scan3A_7 step %scan3A_8  : i32 {
      %mul3A_12 = arith.constant 128 : i32
      %mul3A_13 = arith.muli %scan3A_11, %mul3A_12 : i32
      %add3A_14 = arith.addi %mul3A_4, %mul3A_13 : i32
      %multiple_of3A = tpu.assume_multiple %add3A_14, 128 : i32
      "tpu.region"() ({
        %run_scoped3A = tpu.sem_alloc : memref<!tpu.dma_semaphore, #tpu.memory_space<semaphore_mem>>
        %dma_start3A_19 = tpu.memref_slice %arg3[%multiple_of3A] : memref<323584xi32, #tpu.memory_space<hbm>> -> memref<128xi32, #tpu.memory_space<hbm>>
        %dma_start3A_20 = tpu.memref_slice %arg3[%multiple_of3A] : memref<323584xi32, #tpu.memory_space<hbm>> -> memref<128xi32, #tpu.memory_space<hbm>>
        tpu.enqueue_dma source(%dma_start3A_20 : memref<128xi32, #tpu.memory_space<hbm>>) target(%arg10 : memref<128xi32, #tpu.memory_space<vmem>>) target_semaphore(%run_scoped3A : memref<!tpu.dma_semaphore, #tpu.memory_space<semaphore_mem>>)
        %dma_wait3A_21 = tpu.memref_slice %arg3[%multiple_of3A] : memref<323584xi32, #tpu.memory_space<hbm>> -> memref<128xi32, #tpu.memory_space<hbm>>
        %dma_wait3A_22 = tpu.memref_slice %arg3[%multiple_of3A] : memref<323584xi32, #tpu.memory_space<hbm>> -> memref<128xi32, #tpu.memory_space<hbm>>
        tpu.wait_dma2 semaphore(%run_scoped3A : memref<!tpu.dma_semaphore, #tpu.memory_space<semaphore_mem>>) src(%dma_wait3A_22 : memref<128xi32, #tpu.memory_space<hbm>>) dst(%arg10 : memref<128xi32, #tpu.memory_space<vmem>>)
        tpu.yield
      }) : () -> ()
      "tpu.region"() ({
        %run_scoped3A = tpu.sem_alloc : memref<!tpu.dma_semaphore, #tpu.memory_space<semaphore_mem>>
        %dma_start3A_19 = tpu.memref_slice %arg4[%multiple_of3A] : memref<323584xi32, #tpu.memory_space<hbm>> -> memref<128xi32, #tpu.memory_space<hbm>>
        %dma_start3A_20 = tpu.memref_slice %arg4[%multiple_of3A] : memref<323584xi32, #tpu.memory_space<hbm>> -> memref<128xi32, #tpu.memory_space<hbm>>
        tpu.enqueue_dma source(%dma_start3A_20 : memref<128xi32, #tpu.memory_space<hbm>>) target(%arg11 : memref<128xi32, #tpu.memory_space<vmem>>) target_semaphore(%run_scoped3A : memref<!tpu.dma_semaphore, #tpu.memory_space<semaphore_mem>>)
        %dma_wait3A_21 = tpu.memref_slice %arg4[%multiple_of3A] : memref<323584xi32, #tpu.memory_space<hbm>> -> memref<128xi32, #tpu.memory_space<hbm>>
        %dma_wait3A_22 = tpu.memref_slice %arg4[%multiple_of3A] : memref<323584xi32, #tpu.memory_space<hbm>> -> memref<128xi32, #tpu.memory_space<hbm>>
        tpu.wait_dma2 semaphore(%run_scoped3A : memref<!tpu.dma_semaphore, #tpu.memory_space<semaphore_mem>>) src(%dma_wait3A_22 : memref<128xi32, #tpu.memory_space<hbm>>) dst(%arg11 : memref<128xi32, #tpu.memory_space<vmem>>)
        tpu.yield
      }) : () -> ()
      %dma_start3A = arith.constant 0 : i32
      %dma_start3A_15 = arith.constant 0 : i32
      %dma_start3A_16 = tpu.memref_slice %arg2[%dma_start3A, %dma_start3A_15] : memref<10000x128xf32, #tpu.memory_space<hbm>> -> memref<10000x128xf32, #tpu.memory_space<hbm>>
      tpu.enqueue_indirect_dma source(%dma_start3A_16 : memref<10000x128xf32, #tpu.memory_space<hbm>>) target(%arg13 : memref<128x128xf32, #tpu.memory_space<vmem>>) offsets(%arg10 : memref<128xi32, #tpu.memory_space<vmem>>) semaphore(%arg16 : memref<!tpu.dma_semaphore, #tpu.memory_space<semaphore_mem>>)
      %dma_wait3A = arith.constant 0 : i32
      %dma_wait3A_17 = arith.constant 0 : i32
      %dma_wait3A_18 = tpu.memref_slice %arg2[%dma_wait3A, %dma_wait3A_17] : memref<10000x128xf32, #tpu.memory_space<hbm>> -> memref<10000x128xf32, #tpu.memory_space<hbm>>
      tpu.wait_indirect_dma semaphore(%arg16 : memref<!tpu.dma_semaphore, #tpu.memory_space<semaphore_mem>>) src(%dma_wait3A_18 : memref<10000x128xf32, #tpu.memory_space<hbm>>) dst(%arg13 : memref<128x128xf32, #tpu.memory_space<vmem>>)
      "tpu.region"() ({
        %run_scoped3A = tpu.sem_alloc : memref<!tpu.dma_semaphore, #tpu.memory_space<semaphore_mem>>
        %dma_start3A_19 = arith.constant 0 : i32
        %dma_start3A_20 = arith.constant 0 : i32
        %dma_start3A_21 = tpu.memref_slice %arg14[%dma_start3A_19, %dma_start3A_20] : memref<10240x128xf32, #tpu.memory_space<vmem_shared>> -> memref<10240x128xf32, #tpu.memory_space<vmem_shared>>
        tpu.enqueue_indirect_dma source(%arg13 : memref<128x128xf32, #tpu.memory_space<vmem>>) target(%dma_start3A_21 : memref<10240x128xf32, #tpu.memory_space<vmem_shared>>) offsets(%arg11 : memref<128xi32, #tpu.memory_space<vmem>>) semaphore(%run_scoped3A : memref<!tpu.dma_semaphore, #tpu.memory_space<semaphore_mem>>) {add = true}
        %dma_wait3A_22 = arith.constant 0 : i32
        %dma_wait3A_23 = arith.constant 0 : i32
        %dma_wait3A_24 = tpu.memref_slice %arg14[%dma_wait3A_22, %dma_wait3A_23] : memref<10240x128xf32, #tpu.memory_space<vmem_shared>> -> memref<10240x128xf32, #tpu.memory_space<vmem_shared>>
        tpu.wait_indirect_dma semaphore(%run_scoped3A : memref<!tpu.dma_semaphore, #tpu.memory_space<semaphore_mem>>) src(%arg13 : memref<128x128xf32, #tpu.memory_space<vmem>>) dst(%dma_wait3A_24 : memref<10240x128xf32, #tpu.memory_space<vmem_shared>>)
        tpu.yield
      }) : () -> ()
      "tpu.region"() ({
        %run_scoped3A = tpu.sem_alloc : memref<!tpu.dma_semaphore, #tpu.memory_space<semaphore_mem>>
        %dma_start3A_19 = arith.constant 0 : i32
        %dma_start3A_20 = tpu.memref_slice %arg15[%dma_start3A_19] : memref<10240xf32, #tpu.memory_space<vmem_shared>> -> memref<10240xf32, #tpu.memory_space<vmem_shared>>
        tpu.enqueue_indirect_dma source(%arg12 : memref<128xf32, #tpu.memory_space<vmem>>) target(%dma_start3A_20 : memref<10240xf32, #tpu.memory_space<vmem_shared>>) offsets(%arg11 : memref<128xi32, #tpu.memory_space<vmem>>) semaphore(%run_scoped3A : memref<!tpu.dma_semaphore, #tpu.memory_space<semaphore_mem>>) {add = true}
        %dma_wait3A_21 = arith.constant 0 : i32
        %dma_wait3A_22 = tpu.memref_slice %arg15[%dma_wait3A_21] : memref<10240xf32, #tpu.memory_space<vmem_shared>> -> memref<10240xf32, #tpu.memory_space<vmem_shared>>
        tpu.wait_indirect_dma semaphore(%run_scoped3A : memref<!tpu.dma_semaphore, #tpu.memory_space<semaphore_mem>>) src(%arg12 : memref<128xf32, #tpu.memory_space<vmem>>) dst(%dma_wait3A_22 : memref<10240xf32, #tpu.memory_space<vmem_shared>>)
        tpu.yield
      }) : () -> ()
    }
    %scan3A_9 = arith.constant 79 : i32
    %barrier3A_10 = arith.constant 0 : index
    tpu.barrier barrier_id(%barrier3A_10)
    "tpu.region"() ({
      %run_scoped3A = tpu.sem_alloc : memref<!tpu.dma_semaphore, #tpu.memory_space<semaphore_mem>>
      %dma_start3A = arith.constant 0 : i32
      %dma_start3A_11 = arith.constant 0 : i32
      %dma_start3A_12 = tpu.memref_slice %arg8[%arg0, %dma_start3A, %dma_start3A_11] : memref<2x10240x128xf32, #tpu.memory_space<hbm>> -> memref<1x10240x128xf32, #tpu.memory_space<hbm>>
      %dma_start3A_13 = tpu.memref_squeeze %dma_start3A_12 : memref<1x10240x128xf32, #tpu.memory_space<hbm>> -> memref<10240x128xf32, #tpu.memory_space<hbm>>
      %dma_start3A_14 = arith.constant 0 : i32
      %dma_start3A_15 = tpu.memref_slice %dma_start3A_13[%mul3A_2, %dma_start3A_14] : memref<10240x128xf32, #tpu.memory_space<hbm>> -> memref<640x128xf32, #tpu.memory_space<hbm>>
      %dma_start3A_16 = arith.constant 0 : i32
      %dma_start3A_17 = tpu.memref_slice %arg14[%mul3A_2, %dma_start3A_16] : memref<10240x128xf32, #tpu.memory_space<vmem_shared>> -> memref<640x128xf32, #tpu.memory_space<vmem_shared>>
      tpu.enqueue_dma source(%dma_start3A_17 : memref<640x128xf32, #tpu.memory_space<vmem_shared>>) target(%dma_start3A_15 : memref<640x128xf32, #tpu.memory_space<hbm>>) target_semaphore(%run_scoped3A : memref<!tpu.dma_semaphore, #tpu.memory_space<semaphore_mem>>)
      %dma_wait3A = arith.constant 0 : i32
      %dma_wait3A_18 = arith.constant 0 : i32
      %dma_wait3A_19 = tpu.memref_slice %arg8[%arg0, %dma_wait3A, %dma_wait3A_18] : memref<2x10240x128xf32, #tpu.memory_space<hbm>> -> memref<1x10240x128xf32, #tpu.memory_space<hbm>>
      %dma_wait3A_20 = tpu.memref_squeeze %dma_wait3A_19 : memref<1x10240x128xf32, #tpu.memory_space<hbm>> -> memref<10240x128xf32, #tpu.memory_space<hbm>>
      %dma_wait3A_21 = arith.constant 0 : i32
      %dma_wait3A_22 = tpu.memref_slice %dma_wait3A_20[%mul3A_2, %dma_wait3A_21] : memref<10240x128xf32, #tpu.memory_space<hbm>> -> memref<640x128xf32, #tpu.memory_space<hbm>>
      %dma_wait3A_23 = arith.constant 0 : i32
      %dma_wait3A_24 = tpu.memref_slice %arg14[%mul3A_2, %dma_wait3A_23] : memref<10240x128xf32, #tpu.memory_space<vmem_shared>> -> memref<640x128xf32, #tpu.memory_space<vmem_shared>>
      tpu.wait_dma2 semaphore(%run_scoped3A : memref<!tpu.dma_semaphore, #tpu.memory_space<semaphore_mem>>) src(%dma_wait3A_24 : memref<640x128xf32, #tpu.memory_space<vmem_shared>>) dst(%dma_wait3A_22 : memref<640x128xf32, #tpu.memory_space<hbm>>)
      tpu.yield
    }) : () -> ()
    "tpu.region"() ({
      %run_scoped3A = tpu.sem_alloc : memref<!tpu.dma_semaphore, #tpu.memory_space<semaphore_mem>>
      %dma_start3A = arith.constant 0 : i32
      %dma_start3A_11 = tpu.memref_slice %arg9[%arg0, %dma_start3A] : memref<2x10240xf32, #tpu.memory_space<hbm>> -> memref<1x10240xf32, #tpu.memory_space<hbm>>
      %dma_start3A_12 = tpu.memref_squeeze %dma_start3A_11 : memref<1x10240xf32, #tpu.memory_space<hbm>> -> memref<10240xf32, #tpu.memory_space<hbm>>
      %dma_start3A_13 = tpu.memref_slice %dma_start3A_12[%mul3A_2] : memref<10240xf32, #tpu.memory_space<hbm>> -> memref<640xf32, #tpu.memory_space<hbm>>
      %dma_start3A_14 = tpu.memref_slice %arg15[%mul3A_2] : memref<10240xf32, #tpu.memory_space<vmem_shared>> -> memref<640xf32, #tpu.memory_space<vmem_shared>>
      tpu.enqueue_dma source(%dma_start3A_14 : memref<640xf32, #tpu.memory_space<vmem_shared>>) target(%dma_start3A_13 : memref<640xf32, #tpu.memory_space<hbm>>) target_semaphore(%run_scoped3A : memref<!tpu.dma_semaphore, #tpu.memory_space<semaphore_mem>>)
      %dma_wait3A = arith.constant 0 : i32
      %dma_wait3A_15 = tpu.memref_slice %arg9[%arg0, %dma_wait3A] : memref<2x10240xf32, #tpu.memory_space<hbm>> -> memref<1x10240xf32, #tpu.memory_space<hbm>>
      %dma_wait3A_16 = tpu.memref_squeeze %dma_wait3A_15 : memref<1x10240xf32, #tpu.memory_space<hbm>> -> memref<10240xf32, #tpu.memory_space<hbm>>
      %dma_wait3A_17 = tpu.memref_slice %dma_wait3A_16[%mul3A_2] : memref<10240xf32, #tpu.memory_space<hbm>> -> memref<640xf32, #tpu.memory_space<hbm>>
      %dma_wait3A_18 = tpu.memref_slice %arg15[%mul3A_2] : memref<10240xf32, #tpu.memory_space<vmem_shared>> -> memref<640xf32, #tpu.memory_space<vmem_shared>>
      tpu.wait_dma2 semaphore(%run_scoped3A : memref<!tpu.dma_semaphore, #tpu.memory_space<semaphore_mem>>) src(%dma_wait3A_18 : memref<640xf32, #tpu.memory_space<vmem_shared>>) dst(%dma_wait3A_17 : memref<640xf32, #tpu.memory_space<hbm>>)
      tpu.yield
    }) : () -> ()
    return
  }
}

module attributes {stable_mosaic.version = 14 : i64} {
  func.func @_tc_body(%arg0: i32, %arg1: memref<2000x128xf32, #tpu.memory_space<vmem>>, %arg2: memref<2x2000x128xf32, #tpu.memory_space<vmem>>, %arg3: memref<2x2000x1xf32, #tpu.memory_space<vmem>>, %arg4: memref<128x128xf32, #tpu.memory_space<vmem>>, %arg5: memref<128x128xf32, #tpu.memory_space<vmem>>, %arg6: memref<1x128xf32, #tpu.memory_space<vmem>>, %arg7: memref<2000x128xf32, #tpu.memory_space<vmem>>) attributes {dimension_semantics = [#tpu.dimension_semantics<arbitrary>], iteration_bounds = array<i64: 5>, scalar_prefetch = 0 : i64, scratch_operands = 0 : i64, tpu.core_type = #tpu.core_type<tc>, window_params = [{transform_indices = @transform_0, window_bounds = array<i64: 2000, 128>}, {transform_indices = @transform_1, window_bounds = array<i64: 2, 2000, 128>}, {transform_indices = @transform_2, window_bounds = array<i64: 2, 2000, 1>}, {pipeline_mode = #tpu.pipeline_mode<synchronous>, transform_indices = @transform_3, window_bounds = array<i64: 128, 128>}, {pipeline_mode = #tpu.pipeline_mode<synchronous>, transform_indices = @transform_4, window_bounds = array<i64: 128, 128>}, {pipeline_mode = #tpu.pipeline_mode<synchronous>, transform_indices = @transform_5, window_bounds = array<i64: 1, 128>}, {transform_indices = @transform_6, window_bounds = array<i64: 2000, 128>}]} {
    %get3A = arith.constant 0 : index
    %get3A_0 = arith.constant 0 : index
    %get3A_1 = arith.constant 0 : index
    %get3A_2 = vector.load %arg2[%get3A, %get3A_0, %get3A_1] : memref<2x2000x128xf32, #tpu.memory_space<vmem>>, vector<1x2000x128xf32>
    %get3A_3 = vector.shape_cast %get3A_2 : vector<1x2000x128xf32> to vector<2000x128xf32>
    %get3A_4 = arith.constant 1 : index
    %get3A_5 = arith.constant 0 : index
    %get3A_6 = arith.constant 0 : index
    %get3A_7 = vector.load %arg2[%get3A_4, %get3A_5, %get3A_6] : memref<2x2000x128xf32, #tpu.memory_space<vmem>>, vector<1x2000x128xf32>
    %get3A_8 = vector.shape_cast %get3A_7 : vector<1x2000x128xf32> to vector<2000x128xf32>
    %add3A = arith.addf %get3A_3, %get3A_8 : vector<2000x128xf32>
    %get3A_9 = arith.constant 0 : index
    %get3A_10 = arith.constant 0 : index
    %get3A_11 = arith.constant 0 : index
    %get3A_12 = vector.load %arg3[%get3A_9, %get3A_10, %get3A_11] : memref<2x2000x1xf32, #tpu.memory_space<vmem>>, vector<1x2000x1xf32>
    %get3A_13 = vector.shape_cast %get3A_12 : vector<1x2000x1xf32> to vector<2000x1xf32>
    %get3A_14 = arith.constant 1 : index
    %get3A_15 = arith.constant 0 : index
    %get3A_16 = arith.constant 0 : index
    %get3A_17 = vector.load %arg3[%get3A_14, %get3A_15, %get3A_16] : memref<2x2000x1xf32, #tpu.memory_space<vmem>>, vector<1x2000x1xf32>
    %get3A_18 = vector.shape_cast %get3A_17 : vector<1x2000x1xf32> to vector<2000x1xf32>
    %add3A_19 = arith.addf %get3A_13, %get3A_18 : vector<2000x1xf32>
    %max3A = arith.constant 1.000000e+00 : f32
    %max3A_20 = vector.broadcast %max3A : f32 to vector<2000x1xf32>
    %max3A_21 = arith.maximumf %add3A_19, %max3A_20 : vector<2000x1xf32>
    %div3A = arith.constant 1.000000e+00 : f32
    %div3A_22 = vector.broadcast %div3A : f32 to vector<2000x1xf32>
    %div3A_23 = arith.divf %div3A_22, %max3A_21 : vector<2000x1xf32>
    %mul3A = vector.broadcast %div3A_23 : vector<2000x1xf32> to vector<2000x128xf32>
    %mul3A_24 = arith.mulf %add3A, %mul3A : vector<2000x128xf32>
    %get3A_25 = arith.constant 0 : index
    %get3A_26 = arith.constant 0 : index
    %get3A_27 = vector.load %arg4[%get3A_25, %get3A_26] : memref<128x128xf32, #tpu.memory_space<vmem>>, vector<128x128xf32>
    %dot_general3A = arith.constant dense<0.000000e+00> : vector<2000x128xf32>
    %dot_general3A_28 = tpu.matmul %mul3A_24, %get3A_27, %dot_general3A {dimension_numbers = #tpu.dot_dimension_numbers<[1], [0], [0], [1], [0, 0, 1, 1], [], []>, transpose_lhs_hint = false} : vector<2000x128xf32>, vector<128x128xf32>, vector<2000x128xf32> -> vector<2000x128xf32>
    %get3A_29 = arith.constant 0 : index
    %get3A_30 = arith.constant 0 : index
    %get3A_31 = vector.load %arg1[%get3A_29, %get3A_30] : memref<2000x128xf32, #tpu.memory_space<vmem>>, vector<2000x128xf32>
    %get3A_32 = arith.constant 0 : index
    %get3A_33 = arith.constant 0 : index
    %get3A_34 = vector.load %arg5[%get3A_32, %get3A_33] : memref<128x128xf32, #tpu.memory_space<vmem>>, vector<128x128xf32>
    %dot_general3A_35 = arith.constant dense<0.000000e+00> : vector<2000x128xf32>
    %dot_general3A_36 = tpu.matmul %get3A_31, %get3A_34, %dot_general3A_35 {dimension_numbers = #tpu.dot_dimension_numbers<[1], [0], [0], [1], [0, 0, 1, 1], [], []>, transpose_lhs_hint = false} : vector<2000x128xf32>, vector<128x128xf32>, vector<2000x128xf32> -> vector<2000x128xf32>
    %add3A_37 = arith.addf %dot_general3A_28, %dot_general3A_36 : vector<2000x128xf32>
    %get3A_38 = arith.constant 0 : index
    %get3A_39 = arith.constant 0 : index
    %get3A_40 = vector.load %arg6[%get3A_38, %get3A_39] : memref<1x128xf32, #tpu.memory_space<vmem>>, vector<1x128xf32>
    %add3A_41 = vector.broadcast %get3A_40 : vector<1x128xf32> to vector<2000x128xf32>
    %add3A_42 = arith.addf %add3A_37, %add3A_41 : vector<2000x128xf32>
    %max3A_43 = arith.constant 0.000000e+00 : f32
    %max3A_44 = vector.broadcast %max3A_43 : f32 to vector<2000x128xf32>
    %max3A_45 = arith.maximumf %add3A_42, %max3A_44 : vector<2000x128xf32>
    %swap3A = arith.constant 0 : index
    %swap3A_46 = arith.constant 0 : index
    %swap3A_47 = vector.load %arg7[%swap3A, %swap3A_46] : memref<2000x128xf32, #tpu.memory_space<vmem>>, vector<2000x128xf32>
    tpu.vector_store %arg7[%swap3A, %swap3A_46], %max3A_45 {strides = array<i32>} : memref<2000x128xf32, #tpu.memory_space<vmem>>, vector<2000x128xf32>,
    return
  }
  func.func @transform_0(%arg0: i32) -> (i32, i32) {
    %c0_i32 = arith.constant 0 : i32
    %c0_i32_0 = arith.constant 0 : i32
    return %arg0, %c0_i32 : i32, i32
  }
  func.func @transform_1(%arg0: i32) -> (i32, i32, i32) {
    %c0_i32 = arith.constant 0 : i32
    %c0_i32_0 = arith.constant 0 : i32
    %c0_i32_1 = arith.constant 0 : i32
    return %c0_i32, %arg0, %c0_i32_0 : i32, i32, i32
  }
  func.func @transform_2(%arg0: i32) -> (i32, i32, i32) {
    %c0_i32 = arith.constant 0 : i32
    %c0_i32_0 = arith.constant 0 : i32
    %c0_i32_1 = arith.constant 0 : i32
    return %c0_i32, %arg0, %c0_i32_0 : i32, i32, i32
  }
  func.func @transform_3(%arg0: i32) -> (i32, i32) {
    %c0_i32 = arith.constant 0 : i32
    %c0_i32_0 = arith.constant 0 : i32
    %c0_i32_1 = arith.constant 0 : i32
    return %c0_i32, %c0_i32_0 : i32, i32
  }
  func.func @transform_4(%arg0: i32) -> (i32, i32) {
    %c0_i32 = arith.constant 0 : i32
    %c0_i32_0 = arith.constant 0 : i32
    %c0_i32_1 = arith.constant 0 : i32
    return %c0_i32, %c0_i32_0 : i32, i32
  }
  func.func @transform_5(%arg0: i32) -> (i32, i32) {
    %c0_i32 = arith.constant 0 : i32
    %c0_i32_0 = arith.constant 0 : i32
    %c0_i32_1 = arith.constant 0 : i32
    return %c0_i32, %c0_i32_0 : i32, i32
  }
  func.func @transform_6(%arg0: i32) -> (i32, i32) {
    %c0_i32 = arith.constant 0 : i32
    %c0_i32_0 = arith.constant 0 : i32
    return %arg0, %c0_i32 : i32, i32
  }
}

</mosaic_0001>

<sc_bundles>
// kernel: kernel.4.cloned.1.call-start
scs
__scs_entry_jumppad:
0x0: {  	(pc) =	sbr.rel $0x88, $3  }
0x1: {  	(tag) =	ssettag $0x0;
	lr =	simm.s32 $0x1  }
0x2: {  	[smem:$0x3F9C] =	sst lr;
	_ =	strace $0xD0000000  }
0x3: {  	_ = 	snop  }
0x4: {  	_ = 	snop  }
0x5: {  	_ = 	snop  }
0x6: {  	_ = 	snop  }
0x7: {  	_ = 	snop  }
__scs_overlays_trampoline_lowered:
0x8: {  	[smem:$0x3FAB] =	sst s0  }
0x9: {  	[smem:$0x3FAC] =	sst s1  }
0xa: {  	[smem:$0x3FAD] =	sst s2  }
0xb: {  	[smem:$0x3FAE] =	sst s3  }
0xc: {  	[smem:$0x3FAF] =	sst s4  }
0xd: {  	[smem:$0x3FB0] =	sst s5  }
0xe: {  	[smem:$0x3FB1] =	sst s6  }
0xf: {  	[smem:$0x3FB2] =	sst s7  }
0x10: {  	[smem:$0x3FB3] =	sst s8  }
0x11: {  	[smem:$0x3FB4] =	sst s9;
	s0 =	simm.s32 @!p0 $0x0  }
0x12: {  	s1 =	sld [smem:$0x3F9A];
	s0 =	simm.s32 @p0 $0x1  }
0x13: {  	[smem:$0x3FB5] =	sst s0;
	s0 =	simm.s32 @!p1 $0x0  }
0x14: {  	s2 =	sld [smem:$0x3F99];
	s0 =	simm.s32 @p1 $0x1  }
0x15: {  	[smem:$0x3FB6] =	sst s0;
	s0 =	simm.s32 @!p2 $0x0  }
0x16: {  	s3 =	sld [smem:$0x3FDB];
	s0 =	simm.s32 @p2 $0x1  }
0x17: {  	s4 =	simm.s32 $0x1BF5;
	[smem:$0x3FB8] =	sst s0  }
0x18: {  	s0 =	sld [smem:$0x3F9B];
	_ =	swait.ge [sflag:s4], $0x0  }
0x19: {  	s7 =	sld [smem:$0x3F9C]  }
0x1a: {  	s8 =	sadd.s32 $0xFFFFE003, lr  }
0x1b: {  	s9 =	sadd.s32 $0xFFFFFEF7, lr;
	s5 =	simm.s32 $0xFFFFFFFF;
	p2 =	slt.u32 s8, $0xFFFFF086  }
0x1c: {  	p1 =	slt.u32 s9, $0xF7A;
	s5 =	simm.s32 @!p2 $0x0  }
0x1d: {  	s5 =	simm.s32 @p1 $0x1;
	p0 =	seq.s32 s7, s2  }
0x1e: {  	s7 =	smul.u32 @!p0 $0xF7A, s2;
	p2 =	seq.s32 @!p0 s5, $0x0  }
0x1f: {  	s9 =	smul.u32 $0xF7A, s1;
	s8 =	simm.s32 @!p0 $0x1BF5;
	p2 =	por !p2, p0  }
0x20: {  	[sflag:s8] =	ssyncset.s32 @!p0 $0xFFFFF086;
	s6 =	sadd.s32 @!p0 s3, s7;
	s7 =	simm.s32 @!p0 $0x108  }
0x21: {  	s3 =	sadd.s32 s3, s9;
	s6 =	sadd.s32 @!p0 $0x88, s6;
	s7 =	simm.s32 @p2 $0x1082  }
0x22: {  	[simem:s7], [sflag:s8] =	dma.local @!p0 [hbm:s6], $0xF7A  }
0x23: {  	s9 =	sor.u32 $0xD0000000, s2;
	s6 =	simm.s32 $0x108;
	_ =	swait.ge @!p0 [sflag:s8], $0x0  }
0x24: {  	s3 =	sadd.s32 $0x88, s3;
	s6 =	simm.s32 @!p1 $0x1082;
	[sflag:s4] =	ssyncset.s32 $0xFFFFF086  }
0x25: {  	[simem:s6], [sflag:s4] =	dma.local [hbm:s3], $0xF7A  }
0x26: {  	[smem:$0x3F9C] =	sst s1;
	(tag) =	ssettag s2;
	_ =	strace s9  }
0x27: {  	s1 =	sld [smem:$0x3FAC]  }
0x28: {  	s2 =	sld [smem:$0x3FAD]  }
0x29: {  	s4 =	sld [smem:$0x3FAF]  }
0x2a: {  	p0 =	seq.s32 s5, $0x0;
	s5 =	sld [smem:$0x3FB0]  }
0x2b: {  	s6 =	sld [smem:$0x3FB1]  }
0x2c: {  	s7 =	sld [smem:$0x3FB2]  }
0x2d: {  	s3 =	simm.s32 $0x108;
	s8 =	sld [smem:$0x3FB3]  }
0x2e: {  	s3 =	simm.s32 @!p0 $0x1082;
	s9 =	sld [smem:$0x3FB4]  }
0x2f: {  	lr =	sadd.s32 s0, s3;
	s0 =	sld [smem:$0x3FAB]  }
0x30: {  	s3 =	sld [smem:$0x3FAE]  }
0x31: {  	[smem:$0x3FB7] =	sst s10  }
0x32: {  	s10 =	sld [smem:$0x3FB5];
	_ =	sdelay $0x3  }
0x33: {  	p0 =	seq.s32 s10, $0x1;
	s10 =	sld [smem:$0x3FB7];
	_ =	sdelay $0x3  }
0x34: {  	[smem:$0x3FB7] =	sst s10  }
0x35: {  	s10 =	sld [smem:$0x3FB6];
	_ =	sdelay $0x3  }
0x36: {  	p1 =	seq.s32 s10, $0x1;
	s10 =	sld [smem:$0x3FB7];
	_ =	sdelay $0x3  }
0x37: {  	[smem:$0x3FB7] =	sst s10  }
0x38: {  	s10 =	sld [smem:$0x3FB8]  }
0x39: {  	_ = 	snop;
	(pc) =	sbr.ind lr, $3  }
0x3a: {  	_ = 	snop  }
0x3b: {  	_ = 	snop  }
0x3c: {  	p2 =	seq.s32 s10, $0x1;
	s10 =	sld [smem:$0x3FB7]  }
0x3d: {  	_ =	shalt  }
0x3e: {  	_ =	shalt  }
0x3f: {  	_ =	shalt  }
0x40: {  	_ =	shalt  }
0x41: {  	_ =	shalt  }
0x42: {  	_ =	shalt  }
0x43: {  	_ =	shalt  }
0x44: {  	_ =	shalt  }
0x45: {  	_ =	shalt  }
0x46: {  	_ =	shalt  }
0x47: {  	_ =	shalt  }
0x48: {  	_ =	shalt  }
0x49: {  	_ =	shalt  }
0x4a: {  	_ =	shalt  }
0x4b: {  	_ =	shalt  }
0x4c: {  	_ =	shalt  }
0x4d: {  	_ =	shalt  }
0x4e: {  	_ =	shalt  }
0x4f: {  	_ =	shalt  }
0x50: {  	_ =	shalt  }
0x51: {  	_ =	shalt  }
0x52: {  	_ =	shalt  }
0x53: {  	_ =	shalt  }
0x54: {  	_ =	shalt  }
0x55: {  	_ =	shalt  }
0x56: {  	_ =	shalt  }
0x57: {  	_ =	shalt  }
0x58: {  	_ =	shalt  }
0x59: {  	_ =	shalt  }
0x5a: {  	_ =	shalt  }
0x5b: {  	_ =	shalt  }
0x5c: {  	_ =	shalt  }
0x5d: {  	_ =	shalt  }
0x5e: {  	_ =	shalt  }
0x5f: {  	_ =	shalt  }
0x60: {  	_ =	shalt  }
0x61: {  	_ =	shalt  }
0x62: {  	_ =	shalt  }
0x63: {  	_ =	shalt  }
0x64: {  	_ =	shalt  }
0x65: {  	_ =	shalt  }
0x66: {  	_ =	shalt  }
0x67: {  	_ =	shalt  }
0x68: {  	_ =	shalt  }
0x69: {  	_ =	shalt  }
0x6a: {  	_ =	shalt  }
0x6b: {  	_ =	shalt  }
0x6c: {  	_ =	shalt  }
0x6d: {  	_ =	shalt  }
0x6e: {  	_ =	shalt  }
0x6f: {  	_ =	shalt  }
0x70: {  	_ =	shalt  }
0x71: {  	_ =	shalt  }
0x72: {  	_ =	shalt  }
0x73: {  	_ =	shalt  }
0x74: {  	_ =	shalt  }
0x75: {  	_ =	shalt  }
0x76: {  	_ =	shalt  }
0x77: {  	_ =	shalt  }
0x78: {  	_ =	shalt  }
0x79: {  	_ =	shalt  }
0x7a: {  	_ =	shalt  }
0x7b: {  	_ =	shalt  }
0x7c: {  	_ =	shalt  }
0x7d: {  	_ =	shalt  }
0x7e: {  	_ =	shalt  }
0x7f: {  	_ =	shalt  }
0x80: {  	_ =	shalt  }
0x81: {  	_ =	shalt  }
0x82: {  	_ =	shalt  }
0x83: {  	_ =	shalt  }
0x84: {  	_ =	shalt  }
0x85: {  	_ =	shalt  }
0x86: {  	_ =	shalt  }
0x87: {  	_ =	shalt  }
.Lfunc_end0:
.L_simem_size_0:
called_computation_lowered:
.L_overlay_start_0:
0x88: {  	s2 =	sld [smem:$0x3FD9]  }
0x89: {  	s3 =	sld [smem:$0x3FFE];
	_ =	sdelay $0x1  }
0x8a: {  	s1 =	srdreg.scid  }
0x8b: {  	s0 =	sand.u32 $0x1, s1  }
0x8c: {  	s17 =	sshll.u32 s0, $0xA;
	s2 =	sadd.s32 s3, s2  }
0x8d: {  	s2 =	sadd.s32 s2, s17  }
0x8e: {  	[smem:$0x3FC3] =	sst s2  }
0x8f: {  	_ = 	snop  }
0x90: {  	s2 =	sld [smem:$0x3FC9]  }
0x91: {  	s18 =	sld [smem:$0x3FD0];
	(tm) =	ssettm $0x1  }
0x92: {  	s4 =	sld [smem:$0x3FFB];
	_ =	sdelay $0x3  }
0x93: {  	_ =	strace s4  }
0x94: {  	s4 =	sld [smem:$0x3FFC];
	_ =	sdelay $0x3  }
0x95: {  	_ =	strace s4  }
0x96: {  	s4 =	sld [smem:$0x3FFD];
	_ =	sdelay $0x3  }
0x97: {  	_ =	strace s4  }
0x98: {  	_ =	strace $0x8FFFFFFF  }
0x99: {  	s19 =	sld [smem:$0x3FDB];
	_ =	sdelay $0x1  }
0x9a: {  	s5 =	simm.s32 $_scs_section_size  }
0x9b: {  	s6 =	simm.s32 $_size__tile_overlayer_lowered;
	s7 =	simm.s32 $_tile_overlayer_lowered  }
0x9c: {  	s22 =	simm.s32 $0x1BFF;
	s21 =	sshll.u32 s7, $0x1;
	s4 =	sadd.s32 s5, s19  }
0x9d: {  	s8 =	simm.s32 $0x0;
	s20 =	sshll.u32 s6, $0x1;
	s6 =	sadd.s32 s21, s4  }
0x9e: {  	[timem:s8], [sflag:s22] =	dma.local [hbm:s6], s20  }
0x9f: {  	_ =	swait.ge [sflag:s22], s20  }
0xa0: {  	s5 =	ssub.s32 $0x0, s20;
	[sflag:s22] =	ssyncset.done $0x0  }
0xa1: {  	[sflag:s22] =	ssyncadd.s32 s5;
	_ =	sdelay $0x1  }
0xa2: {  	s23 =	simm.s32 $0x1B8B  }
0xa3: {  	_ =	swait.ge [sflag:s23], $0x1  }
0xa4: {  	[sflag:s23] =	ssyncset.done $0x0  }
0xa5: {  	s25 =	simm.s32 $0x1B8E;
	s24 =	sld [smem:$0x3FFE];
	[sflag:s23] =	ssyncadd.s32 $0xFFFFFFFF  }
0xa6: {  	s26 =	simm.s32 $execute0_lowered;
	[smem:$0x3FD2] =	sst s25  }
0xa7: {  	s6 =	sshll.u32 s26, $0x1;
	_ =	strace $0x80000046;
	[dreg:$0x1] =	wrdreg $0xFFFFFFFF  }
0xa8: {  	s28 =	simm.s32 $_size_execute0_lowered;
	s4 =	sadd.s32 s4, s6;
	[dreg:$0x0] =	wrdreg $0x0  }
0xa9: {  	s6 =	sshll.u32 s28, $0x1;
	[dreg:$0x2] =	wrdreg s4  }
0xaa: {  	[dreg:$0x3] =	wrdreg s6  }
0xab: {  	[dreg:$0x4] =	wrdreg $0xC0  }
0xac: {  	_ =	task [dreg:s8], $0x5FFFF  }
0xad: {  	[dreg:$0x1] =	wrdreg $0xFFFFFFFF  }
0xae: {  	[dreg:$0x0] =	wrdreg $0x60  }
0xaf: {  	[dreg:$0x2] =	wrdreg s2  }
0xb0: {  	[dreg:$0x3] =	wrdreg s18  }
0xb1: {  	[dreg:$0x4] =	wrdreg s24  }
0xb2: {  	[dreg:$0x5] =	wrdreg $0x41800  }
0xb3: {  	[dreg:$0x6] =	wrdreg $0x181800  }
0xb4: {  	[dreg:$0x7] =	wrdreg $0x9  }
0xb5: {  	_ =	task.clear_ibuf [dreg:s8], $0x8FFFF;
	_ =	strace $0x90000046  }
0xb6: {  	s29 =	simm.s32 $0x9;
	_ =	strace $0x80000048  }
0xb7: {  	_ =	swait.ge [sflag:s29], $0x1  }
0xb8: {  	[sflag:s29] =	ssyncadd.s32 $0xFFFFFFFF  }
0xb9: {  	_ =	strace $0x90000048  }
0xba: {  	_ =	sfence  }
0xbb: {  	s30 =	sld [smem:$0x0];
	_ =	sdelay $0x2  }
0xbc: {  	s31 =	sshll.u32 s1, $0xD;
	s1 =	sshrl.u32 s1, $0x2  }
0xbd: {  	s3 =	sand.u32 $0x4000, s31;
	s1 =	sadd.s32 s1, s30  }
0xbe: {  	s0 =	sor.u32 s3, s0;
	s1 =	sshll.u32 s1, $0x11  }
0xbf: {  	s0 =	sor.u32 s1, s0  }
0xc0: {  	s0 =	sadd.s32 $0x8F2B, s0  }
0xc1: {  	[sflag:s0] =	ssyncadd.remote.s32 $0x1  }
0xc2: {  	_ =	sfence.sel $0xFFFF  }
0xc3: {  	[dreg:$0x0] =	wrdreg $0xFFFFFFFF;
	(pc) =	sbr.abs _section_cstart, $3  }
0xc4: {  	[dreg:$0x1] =	wrdreg $0xFFFFFFFF  }
0xc5: {  	_ =	task.clear_ibuf [dreg:s8], $0x2FFFF;
	_ =	strace $0x9FFFFFFF  }
0xc6: {  	(tm) =	ssettm $0x7FFFFFFF  }
0xc7: {  	_ =	shalt  }
tec
execute0_lowered:
.L_overlay_start_1:
0x0: {  	(tag) =	ssettag $0x1  }
0x1: {  	s1 =	rddreg [dreg:$0x0]  }
0x2: {  	s10 =	rddreg [dreg:$0x1]  }
0x3: {  	s9 =	rddreg [dreg:$0x2]  }
0x4: {  	s2 =	rddreg [dreg:$0x3];
	s5 =	srdreg.scid  }
0x5: {  	s3 =	rddreg [dreg:$0x4];
	s11 =	sand.u32 $0x1, s5  }
0x6: {  	s0 =	rddreg [dreg:$0x5];
	s12 =	smul.u32 $0x4F00, s11  }
0x7: {  	s4 =	simm.s32 $0x0;
	s5 =	stileid.u32;
	s14 =	smul.u32 $0x28000, s11  }
0x8: {  	s19 =	simm.s32 $0x1;
	s24 =	simm.s32 $0x0;
	s16 =	smul.u32 $0x50000, s5  }
0x9: {  	[smem:$0x7FF] =	sst s4;
	s6 =	sadd.s32 $0xB200, s9;
	s18 =	smul.u32 $0xA00, s5  }
0xa: {  	s7 =	sadd.s32 $0xB000, s9;
	s8 =	sadd.s32 $0xAE00, s9;
	s30 =	smul.u32 $0x4F0, s5  }
0xb: {  	_ =	strace $0x80000047;
	s15 =	ssub.s32 $0x2, s11;
	s21 =	smul.u32 $0x2800, s5  }
0xc: {  	s11 =	sshll.u32 s11, $0x4;
	s28 =	sshll.u32 s5, $0x6;
	s23 =	smul.u32 $0xA0, s5  }
0xd: {  	s17 =	sshrl.u32 s15, $0x1;
	s11 =	sadd.s32 s11, s9;
	s13 =	sadd.s32 s12, s9  }
0xe: {  	s14 =	sadd.s32 s14, s9;
	s15 =	ssub.s32 s15, s17;
	s26 =	sshrl.u32 s16, $0x2  }
0xf: {  	s29 =	sshrl.u32 s18, $0x2;
	s9 =	sor.u32 $0x1C02, s28;
	s22 =	sadd.s32 $0xDA00, s11  }
0x10: {  	s12 =	sadd.s32 s12, s10;
	s18 =	simm.s32 $0x180;
	s16 =	sadd.s32 s26, s2  }
0x11: {  	s17 =	sadd.s32 s29, s3;
	s20 =	sadd.s32 $0xE400, s14;
	s31 =	sadd.s32 s30, s13  }
0x12: {  	s10 =	smax.u32 s15, $0x1;
	s12 =	sadd.s32 s30, s12;
	s14 =	simm.s32 $0x2  }
0x13: {  	s11 =	sadd.s32 $0x1000, s31;
	s13 =	sshrl.u32 s16, $0x3;
	s15 =	sshrl.u32 s17, $0x3  }
0x14: {  	s16 =	simm.s32 $0x100;
	s17 =	simm.s32 $0x80;
	s20 =	sadd.s32 s21, s20  }
0x15: {  	s21 =	sadd.s32 s23, s22;
	s22 =	simm.s32 $0x20;
	s23 =	simm.s32 $0x10  }
.LBB2_1:
0x16: {  	[spmem:s13], [sflag:s9] =	dma.local [hbm:s6], $0x2800  }
0x17: {  	_ =	swait.ge [sflag:s14], $0x2800  }
0x18: {  	[sflag:s14] =	ssyncset.done $0x0  }
0x19: {  	[sflag:s14] =	ssyncadd.s32 $0xFFFFD800  }
0x1a: {  	[spmem:s15], [sflag:s9] =	dma.local [hbm:s7], $0x50  }
0x1b: {  	_ =	swait.ge [sflag:s14], $0x50  }
0x1c: {  	[sflag:s14] =	ssyncset.done $0x0  }
0x1d: {  	[sflag:s14] =	ssyncadd.s32 $0xFFFFFFB0  }
0x1e: {  	[tilespmem:s16], [sflag:$0x2] =	stream.linear.gather [hbm4b:s8+s4], $0x80, $0x38;
	[tilespmem:$0x18400] =	vst v63  }
0x1f: {  	_ =	swait.ge [sflag:s14], $0x80  }
0x20: {  	[sflag:s14] =	ssyncset.done $0x0  }
0x21: {  	[sflag:s14] =	ssyncadd.s32 $0xFFFFFF80  }
0x22: {  	s25 =	sadd.s32 $0x0, s12;
	[bflag:$0x0] =	sbarrier.arrive $0xFFFF  }
0x23: {  	[tilespmem:s4], [sflag:$0x2] =	stream.linear.gather [hbm4b:s25+s4], $0x80, $0x38;
	[tilespmem:$0x18400] =	vst v63  }
0x24: {  	_ =	swait.ge [sflag:s14], $0x80  }
0x25: {  	[sflag:s14] =	ssyncset.done $0x0  }
0x26: {  	s31 =	sadd.s32 $0x0, s11;
	[sflag:s14] =	ssyncadd.s32 $0xFFFFFF80  }
0x27: {  	[tilespmem:s17], [sflag:$0x2] =	stream.linear.gather [hbm4b:s31+s4], $0x80, $0x38;
	[tilespmem:$0x18400] =	vst v63  }
0x28: {  	_ =	swait.ge [sflag:s14], $0x80  }
0x29: {  	[sflag:s14] =	ssyncset.done $0x0  }
0x2a: {  	[sflag:s14] =	ssyncadd.s32 $0xFFFFFF80  }
0x2b: {  	[tilespmem:s18], [sflag:$0x1] =	stream.indirect.gather [hbm4b:s1+s17], $0x80, s4, s17, $0xb8;
	[tilespmem:$0x18400] =	vst v63  }
0x2c: {  	_ =	swait.ge [sflag:s19], $0x4000  }
0x2d: {  	[sflag:s19] =	ssyncset.done $0x0  }
0x2e: {  	[sflag:s19] =	ssyncadd.s32 $0xFFFFC000  }
0x2f: {  	[spmem:s2] =	stream.indirect.scatter.add.f32 [tilespmem:s18], [sflag:$0x2], $0x80, s17, s17, $0xb8;
	[tilespmem:$0x18400] =	vst v63  }
0x30: {  	_ =	swait.ge [sflag:s14], $0x4000  }
0x31: {  	[sflag:s14] =	ssyncset.done $0x0  }
0x32: {  	[sflag:s14] =	ssyncadd.s32 $0xFFFFC000  }
0x33: {  	[spmem:s3] =	stream.indirect.scatter.add.f32 [tilespmem:s16], [sflag:$0x2], $0x1, s17, s17, $0xb8;
	[tilespmem:$0x18400] =	vst v63  }
0x34: {  	_ =	swait.ge [sflag:s14], $0x80  }
0x35: {  	s26 =	simm.s32 $0x20;
	s25 =	simm.s32 $0x10;
	[sflag:s14] =	ssyncset.done $0x0  }
.LBB2_2:
0x36: {  	s28 =	sadd.s32 s25, s12  }
0x37: {  	[sflag:s14] =	ssyncadd.s32 $0xFFFFFF80;
	s29 =	smov.u32 s26;
	s30 =	sadd.s32 $0x10, s26  }
0x38: {  	[tilespmem:s4], [sflag:$0x2] =	stream.linear.gather [hbm4b:s28+s4], $0x80, $0x38;
	[tilespmem:$0x18400] =	vst v63  }
0x39: {  	p0 =	sne.s32 s26, $0x4E0;
	_ =	swait.ge [sflag:s14], $0x80  }
0x3a: {  	[sflag:s14] =	ssyncset.done $0x0  }
0x3b: {  	s26 =	sadd.s32 s25, s11;
	s25 =	smov.u32 s29;
	[sflag:s14] =	ssyncadd.s32 $0xFFFFFF80  }
0x3c: {  	[tilespmem:s17], [sflag:$0x2] =	stream.linear.gather [hbm4b:s26+s4], $0x80, $0x38;
	[tilespmem:$0x18400] =	vst v63  }
0x3d: {  	_ =	swait.ge [sflag:s14], $0x80  }
0x3e: {  	[sflag:s14] =	ssyncset.done $0x0  }
0x3f: {  	[sflag:s14] =	ssyncadd.s32 $0xFFFFFF80  }
0x40: {  	[tilespmem:s18], [sflag:$0x1] =	stream.indirect.gather [hbm4b:s1+s17], $0x80, s4, s17, $0xb8;
	[tilespmem:$0x18400] =	vst v63  }
0x41: {  	_ =	swait.ge [sflag:s19], $0x4000  }
0x42: {  	[sflag:s19] =	ssyncset.done $0x0  }
0x43: {  	[sflag:s19] =	ssyncadd.s32 $0xFFFFC000  }
0x44: {  	[spmem:s2] =	stream.indirect.scatter.add.f32 [tilespmem:s18], [sflag:$0x2], $0x80, s17, s17, $0xb8;
	[tilespmem:$0x18400] =	vst v63  }
0x45: {  	_ =	swait.ge [sflag:s14], $0x4000  }
.Ltmp0:
0x46: {  	[sflag:s14] =	ssyncset.done $0x0;
	(pc) =	sbr.rel @p0 .LBB2_2-.Ltmp0, $4  }
0x47: {  	[sflag:s14] =	ssyncadd.s32 $0xFFFFC000  }
0x48: {  	[spmem:s3] =	stream.indirect.scatter.add.f32 [tilespmem:s16], [sflag:$0x2], $0x1, s17, s17, $0xb8;
	[tilespmem:$0x18400] =	vst v63  }
0x49: {  	_ =	swait.ge [sflag:s14], $0x80  }
0x4a: {  	s26 =	smov.u32 s30;
	[sflag:s14] =	ssyncset.done $0x0  }
0x4b: {  	s26 =	sadd.s32 s25, s12;
	[sflag:s14] =	ssyncadd.s32 $0xFFFFFF80  }
0x4c: {  	[tilespmem:s4], [sflag:$0x2] =	stream.linear.gather [hbm4b:s26+s4], $0x80, $0x38;
	[tilespmem:$0x18400] =	vst v63  }
0x4d: {  	_ =	swait.ge [sflag:s14], $0x80  }
0x4e: {  	[sflag:s14] =	ssyncset.done $0x0  }
0x4f: {  	s31 =	sadd.s32 s25, s11;
	[sflag:s14] =	ssyncadd.s32 $0xFFFFFF80  }
0x50: {  	[tilespmem:s17], [sflag:$0x2] =	stream.linear.gather [hbm4b:s31+s4], $0x80, $0x38;
	[tilespmem:$0x18400] =	vst v63  }
0x51: {  	_ =	swait.ge [sflag:s14], $0x80  }
0x52: {  	[sflag:s14] =	ssyncset.done $0x0  }
0x53: {  	[sflag:s14] =	ssyncadd.s32 $0xFFFFFF80  }
0x54: {  	[tilespmem:s18], [sflag:$0x1] =	stream.indirect.gather [hbm4b:s1+s17], $0x80, s4, s17, $0xb8;
	[tilespmem:$0x18400] =	vst v63  }
0x55: {  	_ =	swait.ge [sflag:s19], $0x4000  }
0x56: {  	[sflag:s19] =	ssyncset.done $0x0  }
0x57: {  	[sflag:s19] =	ssyncadd.s32 $0xFFFFC000  }
0x58: {  	[spmem:s2] =	stream.indirect.scatter.add.f32 [tilespmem:s18], [sflag:$0x2], $0x80, s17, s17, $0xb8;
	[tilespmem:$0x18400] =	vst v63  }
0x59: {  	_ =	swait.ge [sflag:s14], $0x4000  }
0x5a: {  	[sflag:s14] =	ssyncset.done $0x0  }
0x5b: {  	[sflag:s14] =	ssyncadd.s32 $0xFFFFC000  }
0x5c: {  	[spmem:s3] =	stream.indirect.scatter.add.f32 [tilespmem:s16], [sflag:$0x2], $0x1, s17, s17, $0xb8;
	[tilespmem:$0x18400] =	vst v63  }
0x5d: {  	_ =	swait.ge [sflag:s14], $0x80  }
0x5e: {  	[sflag:s14] =	ssyncset.done $0x0  }
0x5f: {  	[sflag:s14] =	ssyncadd.s32 $0xFFFFFF80  }
0x60: {  	[bflag:$0x0] =	sbarrier.arrive $0xFFFF  }
0x61: {  	[hbm:s20], [sflag:s9] =	dma.local [spmem:s13], $0x2800  }
0x62: {  	s24 =	sadd.s32 $0x1, s24;
	_ =	swait.ge [sflag:s14], $0x2800  }
0x63: {  	p0 =	sne.s32 s24, s10;
	[sflag:s14] =	ssyncset.done $0x0  }
.Ltmp1:
0x64: {  	[sflag:s14] =	ssyncadd.s32 $0xFFFFD800;
	(pc) =	sbr.rel @p0 .LBB2_1-.Ltmp1, $4  }
0x65: {  	[hbm:s21@s22], [sflag:s9] =	dma.strided [spmem:s15@s23], $0x50, s19, $0x10   }
0x66: {  	_ =	swait.ge [sflag:s14], $0x50  }
0x67: {  	[sflag:s14] =	ssyncset.done $0x0  }
0x68: {  	[sflag:s14] =	ssyncadd.s32 $0xFFFFFFB0  }
0x69: {  	_ =	sfence.sel $0x180000  }
0x6a: {  	[bflag:$0x0] =	sbarrier.arrive $0xFFFF  }
0x6b: {  	p0 =	sne.s32 s5, $0x0;
	_ =	strace $0x90000047  }
0x6c: {  	s0 =	sadd.s32 @!p0 $0x100000, s0;
	[bflag:$0x2] =	sbarrier.arrive $0xFFFF  }
0x6d: {  	[sflag:s0] =	ssyncadd.tile.s32 @!p0 $0x1;
	_ =	shalt  }
.Lfunc_end2:
_tile_overlayer_lowered:
.L_overlay_start_2:
0x6e: {  	(tag) =	ssettag $0x2  }
0x6f: {  	s0 =	rddreg [dreg:$0x0];
	s2 =	stileid.u32  }
0x70: {  	s1 =	rddreg [dreg:$0x1];
	p0 =	sne.s32 s2, $0x0  }
0x71: {  	s3 =	rddreg [dreg:$0x2];
	[bflag:$0x3] =	sbarrier.arrive $0xFFFF;
	s2 =	simm.s32 @!p0 $0x1C02  }
0x72: {  	[timem:s3], [sflag:s2] =	dma.local @!p0 [hbm:s0], s1  }
0x73: {  	s0 =	simm.s32 @!p0 $0x2  }
0x74: {  	_ =	swait.ge @!p0 [sflag:s0], s1  }
0x75: {  	s1 =	ssub.s32 @!p0 $0x0, s1;
	[sflag:s0] =	ssyncset.done @!p0 $0x0  }
0x76: {  	[sflag:s0] =	ssyncadd.s32 @!p0 s1  }
0x77: {  	[bflag:$0x3] =	sbarrier.arrive $0xFFFF  }
0x78: {  	_ =	shalt  }

</sc_bundles>
